<compile_context>
chip_gen: v7x
topology: tpu7x:2x2x1
jax: 0.10.2.dev20260603
libtpu: 0.0.44.dev20260713+nightly
codegen_flags: <defaults>
</compile_context>

<pallas_src>
import functools

import jax
import jax.numpy as jnp
from jax import lax
from jax.experimental import pallas as pl
from jax.experimental.pallas import tpu as pltpu
from jax.experimental.pallas import tpu_sc as plsc

NC = 1
NS = 16
NW = NC * NS
L = 16

B = 16384
BPW = B // NW
N_STEPS = 100
T_PAD = 112


def _body(t_hbm, ls_hbm, o0_hbm, o1_hbm, o2_hbm, o3_hbm,
          idx_v, ls_v, ta_v, tr_v, o0_v, o1_v, o2_v, o3_v,
          sem_idx, sem_ls, sem_out):
    wid = lax.axis_index("s") * NC + lax.axis_index("c")
    base = wid * BPW

    cp_idx = pltpu.async_copy(t_hbm.at[pl.ds(base, BPW)], idx_v, sem_idx)
    cp_ls = pltpu.async_copy(ls_hbm, ls_v.at[pl.ds(0, N_STEPS)], sem_ls)
    cp_ls.wait()

    for j in range(T_PAD // L):
        ids = lax.iota(jnp.int32, L) + (j * L)
        x = ls_v[pl.ds(j * L, L)]
        xm = plsc.load_gather(ls_v, [jnp.maximum(ids - 1, 0)])
        e = jnp.exp(x)
        em = jnp.exp(xm)
        ta_v[pl.ds(j * L, L)] = e / (1.0 + e)
        tr_v[pl.ds(j * L, L)] = jnp.exp(x - xm) * ((1.0 + em) / (1.0 + e))

    cp_idx.wait()

    n_groups = 1
    per_group = BPW // n_groups
    out_cps = []
    for g in range(n_groups):
        @plsc.parallel_loop(g * per_group, (g + 1) * per_group, L, unroll=4)
        def _chunk(off):
            sl = pl.ds(off, L)
            tv = idx_v[sl]
            a = plsc.load_gather(ta_v, [tv])
            r = plsc.load_gather(tr_v, [tv])
            o0_v[sl] = a
            o1_v[sl] = 1.0 - r
            o2_v[sl] = 1.0 - a
            o3_v[sl] = r
        gsl = pl.ds(g * per_group, per_group)
        osl = pl.ds(base + g * per_group, per_group)
        out_cps.append(pltpu.async_copy(o0_v.at[gsl], o0_hbm.at[osl], sem_out))
        out_cps.append(pltpu.async_copy(o1_v.at[gsl], o1_hbm.at[osl], sem_out))
        out_cps.append(pltpu.async_copy(o2_v.at[gsl], o2_hbm.at[osl], sem_out))
        out_cps.append(pltpu.async_copy(o3_v.at[gsl], o3_hbm.at[osl], sem_out))
    for cp in out_cps:
        cp.wait()


_sched_kernel = functools.partial(
    pl.kernel,
    out_type=tuple(jax.ShapeDtypeStruct((B,), jnp.float32) for _ in range(4)),
    mesh=plsc.VectorSubcoreMesh(
        core_axis_name="c", subcore_axis_name="s",
        num_cores=NC, num_subcores=NS),
    compiler_params=pltpu.CompilerParams(needs_layout_passes=False),
    scratch_types=[
        pltpu.VMEM((BPW,), jnp.int32),
        pltpu.VMEM((T_PAD,), jnp.float32),
        pltpu.VMEM((T_PAD,), jnp.float32),
        pltpu.VMEM((T_PAD,), jnp.float32),
        pltpu.VMEM((BPW,), jnp.float32),
        pltpu.VMEM((BPW,), jnp.float32),
        pltpu.VMEM((BPW,), jnp.float32),
        pltpu.VMEM((BPW,), jnp.float32),
        pltpu.SemaphoreType.DMA,
        pltpu.SemaphoreType.DMA,
        pltpu.SemaphoreType.DMA,
    ],
)(_body)


@jax.jit
def kernel(t, log_snr):
    return _sched_kernel(t.astype(jnp.int32), log_snr)

# --- scband reference (transcript-rebuilt; emitter-appended) ---
"""Pipeline reference for scband-linear-diffusion-schedule-15058155340169 (READ-ONLY COPY).

The authoritative reference and input builder live on the scoring server;
editing this copy changes nothing except your own understanding.
"""

import jax, jax.numpy as jnp
import numpy as np


def setup_inputs(seed: int = 0) -> dict:
    key = jax.random.key(seed)
    beta_min, beta_max, n_steps = 0.01, 0.99, 100
    # Buffers computed exactly as in LinearDiffusionSchedule.__init__
    beta_schedule = jnp.linspace(beta_min, beta_max, n_steps, dtype=jnp.float32)
    alpha_schedule = jnp.cumprod(1.0 - beta_schedule, axis=0)
    signal = jnp.sqrt(alpha_schedule)
    noise = 1.0 - alpha_schedule
    log_snr = jnp.log(jnp.square(signal) / noise)
    # t in [1, n_steps-1] so t-1 stays in-range (matches typical diffusion usage)
    t = jax.random.randint(key, (16384,), 1, n_steps, dtype=jnp.int64 if jax.config.read('jax_enable_x64') else jnp.int32)
    return {"t": t, "log_snr": log_snr}


def reference(t, log_snr):
    # Faithful translation of forward(t); returns the dict values as a tuple
    # ('alpha', 'beta', '1-alpha', '1-beta') in that order.
    scale_t_2 = jax.nn.sigmoid(jnp.take(log_snr, t, axis=0))
    var_t = 1.0 - scale_t_2
    scale_t = jnp.sqrt(scale_t_2)
    scale_s_2 = jax.nn.sigmoid(jnp.take(log_snr, t - 1, axis=0))
    var_s = 1.0 - scale_s_2
    scale_s = jnp.sqrt(scale_s_2)
    beta_t = 1.0 - scale_t_2 / scale_s_2
    scale_t_s = scale_t / scale_s
    return (scale_t_2, beta_t, var_t, scale_t_2 / scale_s_2)

if __name__ == "__main__":
    import jax
    _d = setup_inputs()
    print(jax.jit(kernel)(*tuple(_d.values())))

</pallas_src>

<mosaic_0001>
#map = affine_map<(d0, d1) -> (0)>
module attributes {stable_mosaic.version = 14 : i64} {
  func.func @_body(%arg0: i32, %arg1: i32, %arg2: memref<16384xi32, #tpu.memory_space<hbm>>, %arg3: memref<100xf32, #tpu.memory_space<hbm>>, %arg4: memref<16384xf32, #tpu.memory_space<hbm>>, %arg5: memref<16384xf32, #tpu.memory_space<hbm>>, %arg6: memref<16384xf32, #tpu.memory_space<hbm>>, %arg7: memref<16384xf32, #tpu.memory_space<hbm>>, %arg8: memref<1024xi32, #tpu.memory_space<vmem>>, %arg9: memref<112xf32, #tpu.memory_space<vmem>>, %arg10: memref<112xf32, #tpu.memory_space<vmem>>, %arg11: memref<112xf32, #tpu.memory_space<vmem>>, %arg12: memref<1024xf32, #tpu.memory_space<vmem>>, %arg13: memref<1024xf32, #tpu.memory_space<vmem>>, %arg14: memref<1024xf32, #tpu.memory_space<vmem>>, %arg15: memref<1024xf32, #tpu.memory_space<vmem>>, %arg16: memref<!tpu.dma_semaphore, #tpu.memory_space<semaphore_mem>>, %arg17: memref<!tpu.dma_semaphore, #tpu.memory_space<semaphore_mem>>, %arg18: memref<!tpu.dma_semaphore, #tpu.memory_space<semaphore_mem>>) attributes {dimension_semantics = [#tpu.dimension_semantics<core_parallel>, #tpu.dimension_semantics<subcore_parallel>], iteration_bounds = array<i64: 1, 16>, scalar_prefetch = 0 : i64, scratch_operands = 11 : i64, tpu.core_type = #tpu.core_type<sc_vector_subcore>, window_params = [{transform_indices = #map}, {transform_indices = #map}, {transform_indices = #map}, {transform_indices = #map}, {transform_indices = #map}, {transform_indices = #map}]} {
    %mul3A = arith.constant 1 : i32
    %mul3A_0 = arith.muli %arg1, %mul3A : i32
    %add3A = arith.addi %mul3A_0, %arg0 : i32
    %mul3A_1 = arith.constant 1024 : i32
    %mul3A_2 = arith.muli %add3A, %mul3A_1 : i32
    %dma_start3A = tpu.memref_slice %arg2[%mul3A_2] : memref<16384xi32, #tpu.memory_space<hbm>> -> memref<1024xi32, #tpu.memory_space<hbm>>
    %dma_start3A_3 = tpu.memref_slice %arg2[%mul3A_2] : memref<16384xi32, #tpu.memory_space<hbm>> -> memref<1024xi32, #tpu.memory_space<hbm>>
    tpu.enqueue_dma source(%dma_start3A_3 : memref<1024xi32, #tpu.memory_space<hbm>>) target(%arg8 : memref<1024xi32, #tpu.memory_space<vmem>>) target_semaphore(%arg16 : memref<!tpu.dma_semaphore, #tpu.memory_space<semaphore_mem>>)
    %dma_start3A_4 = arith.constant 0 : i32
    %dma_start3A_5 = tpu.memref_slice %arg9[%dma_start3A_4] : memref<112xf32, #tpu.memory_space<vmem>> -> memref<100xf32, #tpu.memory_space<vmem>>
    %dma_start3A_6 = arith.constant 0 : i32
    %dma_start3A_7 = tpu.memref_slice %arg9[%dma_start3A_6] : memref<112xf32, #tpu.memory_space<vmem>> -> memref<100xf32, #tpu.memory_space<vmem>>
    tpu.enqueue_dma source(%arg3 : memref<100xf32, #tpu.memory_space<hbm>>) target(%dma_start3A_7 : memref<100xf32, #tpu.memory_space<vmem>>) target_semaphore(%arg17 : memref<!tpu.dma_semaphore, #tpu.memory_space<semaphore_mem>>)
    %dma_wait3A = arith.constant 0 : i32
    %dma_wait3A_8 = tpu.memref_slice %arg9[%dma_wait3A] : memref<112xf32, #tpu.memory_space<vmem>> -> memref<100xf32, #tpu.memory_space<vmem>>
    %dma_wait3A_9 = arith.constant 0 : i32
    %dma_wait3A_10 = tpu.memref_slice %arg9[%dma_wait3A_9] : memref<112xf32, #tpu.memory_space<vmem>> -> memref<100xf32, #tpu.memory_space<vmem>>
    tpu.wait_dma2 semaphore(%arg17 : memref<!tpu.dma_semaphore, #tpu.memory_space<semaphore_mem>>) src(%arg3 : memref<100xf32, #tpu.memory_space<hbm>>) dst(%dma_wait3A_10 : memref<100xf32, #tpu.memory_space<vmem>>)
    %iota3A = tpu.iota {dimensions = array<i32: 0>} : vector<16xi32>
    %add3A_11 = arith.constant 0 : i32
    %add3A_12 = vector.broadcast %add3A_11 : i32 to vector<16xi32>
    %add3A_13 = arith.addi %iota3A, %add3A_12 : vector<16xi32>
    %get3A = arith.constant 0 : index
    %get3A_14 = tpu.vector_load %arg9[%get3A] {strides = array<i32>} : memref<112xf32, #tpu.memory_space<vmem>>, vector<16xf32>,
    %sub3A = arith.constant 1 : i32
    %sub3A_15 = vector.broadcast %sub3A : i32 to vector<16xi32>
    %sub3A_16 = arith.subi %add3A_13, %sub3A_15 : vector<16xi32>
    %max3A = arith.constant 0 : i32
    %max3A_17 = vector.broadcast %max3A : i32 to vector<16xi32>
    %max3A_18 = arith.maxsi %sub3A_16, %max3A_17 : vector<16xi32>
    %gather3A = tpu.vector_load_idx %arg9[%max3A_18] : memref<112xf32, #tpu.memory_space<vmem>>[vector<16xi32>], vector<16xf32>,
    %exp3A = math.exp %get3A_14 : vector<16xf32>
    %exp3A_19 = math.exp %gather3A : vector<16xf32>
    %add3A_20 = arith.constant 1.000000e+00 : f32
    %add3A_21 = vector.broadcast %add3A_20 : f32 to vector<16xf32>
    %add3A_22 = arith.addf %add3A_21, %exp3A : vector<16xf32>
    %div3A = arith.divf %exp3A, %add3A_22 : vector<16xf32>
    %swap3A = arith.constant 0 : index
    %swap3A_23 = tpu.vector_load %arg10[%swap3A] {strides = array<i32>} : memref<112xf32, #tpu.memory_space<vmem>>, vector<16xf32>,
    tpu.vector_store %arg10[%swap3A], %div3A {strides = array<i32>} : memref<112xf32, #tpu.memory_space<vmem>>, vector<16xf32>,
    %sub3A_24 = arith.subf %get3A_14, %gather3A : vector<16xf32>
    %exp3A_25 = math.exp %sub3A_24 : vector<16xf32>
    %add3A_26 = arith.constant 1.000000e+00 : f32
    %add3A_27 = vector.broadcast %add3A_26 : f32 to vector<16xf32>
    %add3A_28 = arith.addf %add3A_27, %exp3A_19 : vector<16xf32>
    %add3A_29 = arith.constant 1.000000e+00 : f32
    %add3A_30 = vector.broadcast %add3A_29 : f32 to vector<16xf32>
    %add3A_31 = arith.addf %add3A_30, %exp3A : vector<16xf32>
    %div3A_32 = arith.divf %add3A_28, %add3A_31 : vector<16xf32>
    %mul3A_33 = arith.mulf %exp3A_25, %div3A_32 : vector<16xf32>
    %swap3A_34 = arith.constant 0 : index
    %swap3A_35 = tpu.vector_load %arg11[%swap3A_34] {strides = array<i32>} : memref<112xf32, #tpu.memory_space<vmem>>, vector<16xf32>,
    tpu.vector_store %arg11[%swap3A_34], %mul3A_33 {strides = array<i32>} : memref<112xf32, #tpu.memory_space<vmem>>, vector<16xf32>,
    %iota3A_36 = tpu.iota {dimensions = array<i32: 0>} : vector<16xi32>
    %add3A_37 = arith.constant 16 : i32
    %add3A_38 = vector.broadcast %add3A_37 : i32 to vector<16xi32>
    %add3A_39 = arith.addi %iota3A_36, %add3A_38 : vector<16xi32>
    %get3A_40 = arith.constant 16 : index
    %get3A_41 = tpu.vector_load %arg9[%get3A_40] {strides = array<i32>} : memref<112xf32, #tpu.memory_space<vmem>>, vector<16xf32>,
    %sub3A_42 = arith.constant 1 : i32
    %sub3A_43 = vector.broadcast %sub3A_42 : i32 to vector<16xi32>
    %sub3A_44 = arith.subi %add3A_39, %sub3A_43 : vector<16xi32>
    %max3A_45 = arith.constant 0 : i32
    %max3A_46 = vector.broadcast %max3A_45 : i32 to vector<16xi32>
    %max3A_47 = arith.maxsi %sub3A_44, %max3A_46 : vector<16xi32>
    %gather3A_48 = tpu.vector_load_idx %arg9[%max3A_47] : memref<112xf32, #tpu.memory_space<vmem>>[vector<16xi32>], vector<16xf32>,
    %exp3A_49 = math.exp %get3A_41 : vector<16xf32>
    %exp3A_50 = math.exp %gather3A_48 : vector<16xf32>
    %add3A_51 = arith.constant 1.000000e+00 : f32
    %add3A_52 = vector.broadcast %add3A_51 : f32 to vector<16xf32>
    %add3A_53 = arith.addf %add3A_52, %exp3A_49 : vector<16xf32>
    %div3A_54 = arith.divf %exp3A_49, %add3A_53 : vector<16xf32>
    %swap3A_55 = arith.constant 16 : index
    %swap3A_56 = tpu.vector_load %arg10[%swap3A_55] {strides = array<i32>} : memref<112xf32, #tpu.memory_space<vmem>>, vector<16xf32>,
    tpu.vector_store %arg10[%swap3A_55], %div3A_54 {strides = array<i32>} : memref<112xf32, #tpu.memory_space<vmem>>, vector<16xf32>,
    %sub3A_57 = arith.subf %get3A_41, %gather3A_48 : vector<16xf32>
    %exp3A_58 = math.exp %sub3A_57 : vector<16xf32>
    %add3A_59 = arith.constant 1.000000e+00 : f32
    %add3A_60 = vector.broadcast %add3A_59 : f32 to vector<16xf32>
    %add3A_61 = arith.addf %add3A_60, %exp3A_50 : vector<16xf32>
    %add3A_62 = arith.constant 1.000000e+00 : f32
    %add3A_63 = vector.broadcast %add3A_62 : f32 to vector<16xf32>
    %add3A_64 = arith.addf %add3A_63, %exp3A_49 : vector<16xf32>
    %div3A_65 = arith.divf %add3A_61, %add3A_64 : vector<16xf32>
    %mul3A_66 = arith.mulf %exp3A_58, %div3A_65 : vector<16xf32>
    %swap3A_67 = arith.constant 16 : index
    %swap3A_68 = tpu.vector_load %arg11[%swap3A_67] {strides = array<i32>} : memref<112xf32, #tpu.memory_space<vmem>>, vector<16xf32>,
    tpu.vector_store %arg11[%swap3A_67], %mul3A_66 {strides = array<i32>} : memref<112xf32, #tpu.memory_space<vmem>>, vector<16xf32>,
    %iota3A_69 = tpu.iota {dimensions = array<i32: 0>} : vector<16xi32>
    %add3A_70 = arith.constant 32 : i32
    %add3A_71 = vector.broadcast %add3A_70 : i32 to vector<16xi32>
    %add3A_72 = arith.addi %iota3A_69, %add3A_71 : vector<16xi32>
    %get3A_73 = arith.constant 32 : index
    %get3A_74 = tpu.vector_load %arg9[%get3A_73] {strides = array<i32>} : memref<112xf32, #tpu.memory_space<vmem>>, vector<16xf32>,
    %sub3A_75 = arith.constant 1 : i32
    %sub3A_76 = vector.broadcast %sub3A_75 : i32 to vector<16xi32>
    %sub3A_77 = arith.subi %add3A_72, %sub3A_76 : vector<16xi32>
    %max3A_78 = arith.constant 0 : i32
    %max3A_79 = vector.broadcast %max3A_78 : i32 to vector<16xi32>
    %max3A_80 = arith.maxsi %sub3A_77, %max3A_79 : vector<16xi32>
    %gather3A_81 = tpu.vector_load_idx %arg9[%max3A_80] : memref<112xf32, #tpu.memory_space<vmem>>[vector<16xi32>], vector<16xf32>,
    %exp3A_82 = math.exp %get3A_74 : vector<16xf32>
    %exp3A_83 = math.exp %gather3A_81 : vector<16xf32>
    %add3A_84 = arith.constant 1.000000e+00 : f32
    %add3A_85 = vector.broadcast %add3A_84 : f32 to vector<16xf32>
    %add3A_86 = arith.addf %add3A_85, %exp3A_82 : vector<16xf32>
    %div3A_87 = arith.divf %exp3A_82, %add3A_86 : vector<16xf32>
    %swap3A_88 = arith.constant 32 : index
    %swap3A_89 = tpu.vector_load %arg10[%swap3A_88] {strides = array<i32>} : memref<112xf32, #tpu.memory_space<vmem>>, vector<16xf32>,
    tpu.vector_store %arg10[%swap3A_88], %div3A_87 {strides = array<i32>} : memref<112xf32, #tpu.memory_space<vmem>>, vector<16xf32>,
    %sub3A_90 = arith.subf %get3A_74, %gather3A_81 : vector<16xf32>
    %exp3A_91 = math.exp %sub3A_90 : vector<16xf32>
    %add3A_92 = arith.constant 1.000000e+00 : f32
    %add3A_93 = vector.broadcast %add3A_92 : f32 to vector<16xf32>
    %add3A_94 = arith.addf %add3A_93, %exp3A_83 : vector<16xf32>
    %add3A_95 = arith.constant 1.000000e+00 : f32
    %add3A_96 = vector.broadcast %add3A_95 : f32 to vector<16xf32>
    %add3A_97 = arith.addf %add3A_96, %exp3A_82 : vector<16xf32>
    %div3A_98 = arith.divf %add3A_94, %add3A_97 : vector<16xf32>
    %mul3A_99 = arith.mulf %exp3A_91, %div3A_98 : vector<16xf32>
    %swap3A_100 = arith.constant 32 : index
    %swap3A_101 = tpu.vector_load %arg11[%swap3A_100] {strides = array<i32>} : memref<112xf32, #tpu.memory_space<vmem>>, vector<16xf32>,
    tpu.vector_store %arg11[%swap3A_100], %mul3A_99 {strides = array<i32>} : memref<112xf32, #tpu.memory_space<vmem>>, vector<16xf32>,
    %iota3A_102 = tpu.iota {dimensions = array<i32: 0>} : vector<16xi32>
    %add3A_103 = arith.constant 48 : i32
    %add3A_104 = vector.broadcast %add3A_103 : i32 to vector<16xi32>
    %add3A_105 = arith.addi %iota3A_102, %add3A_104 : vector<16xi32>
    %get3A_106 = arith.constant 48 : index
    %get3A_107 = tpu.vector_load %arg9[%get3A_106] {strides = array<i32>} : memref<112xf32, #tpu.memory_space<vmem>>, vector<16xf32>,
    %sub3A_108 = arith.constant 1 : i32
    %sub3A_109 = vector.broadcast %sub3A_108 : i32 to vector<16xi32>
    %sub3A_110 = arith.subi %add3A_105, %sub3A_109 : vector<16xi32>
    %max3A_111 = arith.constant 0 : i32
    %max3A_112 = vector.broadcast %max3A_111 : i32 to vector<16xi32>
    %max3A_113 = arith.maxsi %sub3A_110, %max3A_112 : vector<16xi32>
    %gather3A_114 = tpu.vector_load_idx %arg9[%max3A_113] : memref<112xf32, #tpu.memory_space<vmem>>[vector<16xi32>], vector<16xf32>,
    %exp3A_115 = math.exp %get3A_107 : vector<16xf32>
    %exp3A_116 = math.exp %gather3A_114 : vector<16xf32>
    %add3A_117 = arith.constant 1.000000e+00 : f32
    %add3A_118 = vector.broadcast %add3A_117 : f32 to vector<16xf32>
    %add3A_119 = arith.addf %add3A_118, %exp3A_115 : vector<16xf32>
    %div3A_120 = arith.divf %exp3A_115, %add3A_119 : vector<16xf32>
    %swap3A_121 = arith.constant 48 : index
    %swap3A_122 = tpu.vector_load %arg10[%swap3A_121] {strides = array<i32>} : memref<112xf32, #tpu.memory_space<vmem>>, vector<16xf32>,
    tpu.vector_store %arg10[%swap3A_121], %div3A_120 {strides = array<i32>} : memref<112xf32, #tpu.memory_space<vmem>>, vector<16xf32>,
    %sub3A_123 = arith.subf %get3A_107, %gather3A_114 : vector<16xf32>
    %exp3A_124 = math.exp %sub3A_123 : vector<16xf32>
    %add3A_125 = arith.constant 1.000000e+00 : f32
    %add3A_126 = vector.broadcast %add3A_125 : f32 to vector<16xf32>
    %add3A_127 = arith.addf %add3A_126, %exp3A_116 : vector<16xf32>
    %add3A_128 = arith.constant 1.000000e+00 : f32
    %add3A_129 = vector.broadcast %add3A_128 : f32 to vector<16xf32>
    %add3A_130 = arith.addf %add3A_129, %exp3A_115 : vector<16xf32>
    %div3A_131 = arith.divf %add3A_127, %add3A_130 : vector<16xf32>
    %mul3A_132 = arith.mulf %exp3A_124, %div3A_131 : vector<16xf32>
    %swap3A_133 = arith.constant 48 : index
    %swap3A_134 = tpu.vector_load %arg11[%swap3A_133] {strides = array<i32>} : memref<112xf32, #tpu.memory_space<vmem>>, vector<16xf32>,
    tpu.vector_store %arg11[%swap3A_133], %mul3A_132 {strides = array<i32>} : memref<112xf32, #tpu.memory_space<vmem>>, vector<16xf32>,
    %iota3A_135 = tpu.iota {dimensions = array<i32: 0>} : vector<16xi32>
    %add3A_136 = arith.constant 64 : i32
    %add3A_137 = vector.broadcast %add3A_136 : i32 to vector<16xi32>
    %add3A_138 = arith.addi %iota3A_135, %add3A_137 : vector<16xi32>
    %get3A_139 = arith.constant 64 : index
    %get3A_140 = tpu.vector_load %arg9[%get3A_139] {strides = array<i32>} : memref<112xf32, #tpu.memory_space<vmem>>, vector<16xf32>,
    %sub3A_141 = arith.constant 1 : i32
    %sub3A_142 = vector.broadcast %sub3A_141 : i32 to vector<16xi32>
    %sub3A_143 = arith.subi %add3A_138, %sub3A_142 : vector<16xi32>
    %max3A_144 = arith.constant 0 : i32
    %max3A_145 = vector.broadcast %max3A_144 : i32 to vector<16xi32>
    %max3A_146 = arith.maxsi %sub3A_143, %max3A_145 : vector<16xi32>
    %gather3A_147 = tpu.vector_load_idx %arg9[%max3A_146] : memref<112xf32, #tpu.memory_space<vmem>>[vector<16xi32>], vector<16xf32>,
    %exp3A_148 = math.exp %get3A_140 : vector<16xf32>
    %exp3A_149 = math.exp %gather3A_147 : vector<16xf32>
    %add3A_150 = arith.constant 1.000000e+00 : f32
    %add3A_151 = vector.broadcast %add3A_150 : f32 to vector<16xf32>
    %add3A_152 = arith.addf %add3A_151, %exp3A_148 : vector<16xf32>
    %div3A_153 = arith.divf %exp3A_148, %add3A_152 : vector<16xf32>
    %swap3A_154 = arith.constant 64 : index
    %swap3A_155 = tpu.vector_load %arg10[%swap3A_154] {strides = array<i32>} : memref<112xf32, #tpu.memory_space<vmem>>, vector<16xf32>,
    tpu.vector_store %arg10[%swap3A_154], %div3A_153 {strides = array<i32>} : memref<112xf32, #tpu.memory_space<vmem>>, vector<16xf32>,
    %sub3A_156 = arith.subf %get3A_140, %gather3A_147 : vector<16xf32>
    %exp3A_157 = math.exp %sub3A_156 : vector<16xf32>
    %add3A_158 = arith.constant 1.000000e+00 : f32
    %add3A_159 = vector.broadcast %add3A_158 : f32 to vector<16xf32>
    %add3A_160 = arith.addf %add3A_159, %exp3A_149 : vector<16xf32>
    %add3A_161 = arith.constant 1.000000e+00 : f32
    %add3A_162 = vector.broadcast %add3A_161 : f32 to vector<16xf32>
    %add3A_163 = arith.addf %add3A_162, %exp3A_148 : vector<16xf32>
    %div3A_164 = arith.divf %add3A_160, %add3A_163 : vector<16xf32>
    %mul3A_165 = arith.mulf %exp3A_157, %div3A_164 : vector<16xf32>
    %swap3A_166 = arith.constant 64 : index
    %swap3A_167 = tpu.vector_load %arg11[%swap3A_166] {strides = array<i32>} : memref<112xf32, #tpu.memory_space<vmem>>, vector<16xf32>,
    tpu.vector_store %arg11[%swap3A_166], %mul3A_165 {strides = array<i32>} : memref<112xf32, #tpu.memory_space<vmem>>, vector<16xf32>,
    %iota3A_168 = tpu.iota {dimensions = array<i32: 0>} : vector<16xi32>
    %add3A_169 = arith.constant 80 : i32
    %add3A_170 = vector.broadcast %add3A_169 : i32 to vector<16xi32>
    %add3A_171 = arith.addi %iota3A_168, %add3A_170 : vector<16xi32>
    %get3A_172 = arith.constant 80 : index
    %get3A_173 = tpu.vector_load %arg9[%get3A_172] {strides = array<i32>} : memref<112xf32, #tpu.memory_space<vmem>>, vector<16xf32>,
    %sub3A_174 = arith.constant 1 : i32
    %sub3A_175 = vector.broadcast %sub3A_174 : i32 to vector<16xi32>
    %sub3A_176 = arith.subi %add3A_171, %sub3A_175 : vector<16xi32>
    %max3A_177 = arith.constant 0 : i32
    %max3A_178 = vector.broadcast %max3A_177 : i32 to vector<16xi32>
    %max3A_179 = arith.maxsi %sub3A_176, %max3A_178 : vector<16xi32>
    %gather3A_180 = tpu.vector_load_idx %arg9[%max3A_179] : memref<112xf32, #tpu.memory_space<vmem>>[vector<16xi32>], vector<16xf32>,
    %exp3A_181 = math.exp %get3A_173 : vector<16xf32>
    %exp3A_182 = math.exp %gather3A_180 : vector<16xf32>
    %add3A_183 = arith.constant 1.000000e+00 : f32
    %add3A_184 = vector.broadcast %add3A_183 : f32 to vector<16xf32>
    %add3A_185 = arith.addf %add3A_184, %exp3A_181 : vector<16xf32>
    %div3A_186 = arith.divf %exp3A_181, %add3A_185 : vector<16xf32>
    %swap3A_187 = arith.constant 80 : index
    %swap3A_188 = tpu.vector_load %arg10[%swap3A_187] {strides = array<i32>} : memref<112xf32, #tpu.memory_space<vmem>>, vector<16xf32>,
    tpu.vector_store %arg10[%swap3A_187], %div3A_186 {strides = array<i32>} : memref<112xf32, #tpu.memory_space<vmem>>, vector<16xf32>,
    %sub3A_189 = arith.subf %get3A_173, %gather3A_180 : vector<16xf32>
    %exp3A_190 = math.exp %sub3A_189 : vector<16xf32>
    %add3A_191 = arith.constant 1.000000e+00 : f32
    %add3A_192 = vector.broadcast %add3A_191 : f32 to vector<16xf32>
    %add3A_193 = arith.addf %add3A_192, %exp3A_182 : vector<16xf32>
    %add3A_194 = arith.constant 1.000000e+00 : f32
    %add3A_195 = vector.broadcast %add3A_194 : f32 to vector<16xf32>
    %add3A_196 = arith.addf %add3A_195, %exp3A_181 : vector<16xf32>
    %div3A_197 = arith.divf %add3A_193, %add3A_196 : vector<16xf32>
    %mul3A_198 = arith.mulf %exp3A_190, %div3A_197 : vector<16xf32>
    %swap3A_199 = arith.constant 80 : index
    %swap3A_200 = tpu.vector_load %arg11[%swap3A_199] {strides = array<i32>} : memref<112xf32, #tpu.memory_space<vmem>>, vector<16xf32>,
    tpu.vector_store %arg11[%swap3A_199], %mul3A_198 {strides = array<i32>} : memref<112xf32, #tpu.memory_space<vmem>>, vector<16xf32>,
    %iota3A_201 = tpu.iota {dimensions = array<i32: 0>} : vector<16xi32>
    %add3A_202 = arith.constant 96 : i32
    %add3A_203 = vector.broadcast %add3A_202 : i32 to vector<16xi32>
    %add3A_204 = arith.addi %iota3A_201, %add3A_203 : vector<16xi32>
    %get3A_205 = arith.constant 96 : index
    %get3A_206 = tpu.vector_load %arg9[%get3A_205] {strides = array<i32>} : memref<112xf32, #tpu.memory_space<vmem>>, vector<16xf32>,
    %sub3A_207 = arith.constant 1 : i32
    %sub3A_208 = vector.broadcast %sub3A_207 : i32 to vector<16xi32>
    %sub3A_209 = arith.subi %add3A_204, %sub3A_208 : vector<16xi32>
    %max3A_210 = arith.constant 0 : i32
    %max3A_211 = vector.broadcast %max3A_210 : i32 to vector<16xi32>
    %max3A_212 = arith.maxsi %sub3A_209, %max3A_211 : vector<16xi32>
    %gather3A_213 = tpu.vector_load_idx %arg9[%max3A_212] : memref<112xf32, #tpu.memory_space<vmem>>[vector<16xi32>], vector<16xf32>,
    %exp3A_214 = math.exp %get3A_206 : vector<16xf32>
    %exp3A_215 = math.exp %gather3A_213 : vector<16xf32>
    %add3A_216 = arith.constant 1.000000e+00 : f32
    %add3A_217 = vector.broadcast %add3A_216 : f32 to vector<16xf32>
    %add3A_218 = arith.addf %add3A_217, %exp3A_214 : vector<16xf32>
    %div3A_219 = arith.divf %exp3A_214, %add3A_218 : vector<16xf32>
    %swap3A_220 = arith.constant 96 : index
    %swap3A_221 = tpu.vector_load %arg10[%swap3A_220] {strides = array<i32>} : memref<112xf32, #tpu.memory_space<vmem>>, vector<16xf32>,
    tpu.vector_store %arg10[%swap3A_220], %div3A_219 {strides = array<i32>} : memref<112xf32, #tpu.memory_space<vmem>>, vector<16xf32>,
    %sub3A_222 = arith.subf %get3A_206, %gather3A_213 : vector<16xf32>
    %exp3A_223 = math.exp %sub3A_222 : vector<16xf32>
    %add3A_224 = arith.constant 1.000000e+00 : f32
    %add3A_225 = vector.broadcast %add3A_224 : f32 to vector<16xf32>
    %add3A_226 = arith.addf %add3A_225, %exp3A_215 : vector<16xf32>
    %add3A_227 = arith.constant 1.000000e+00 : f32
    %add3A_228 = vector.broadcast %add3A_227 : f32 to vector<16xf32>
    %add3A_229 = arith.addf %add3A_228, %exp3A_214 : vector<16xf32>
    %div3A_230 = arith.divf %add3A_226, %add3A_229 : vector<16xf32>
    %mul3A_231 = arith.mulf %exp3A_223, %div3A_230 : vector<16xf32>
    %swap3A_232 = arith.constant 96 : index
    %swap3A_233 = tpu.vector_load %arg11[%swap3A_232] {strides = array<i32>} : memref<112xf32, #tpu.memory_space<vmem>>, vector<16xf32>,
    tpu.vector_store %arg11[%swap3A_232], %mul3A_231 {strides = array<i32>} : memref<112xf32, #tpu.memory_space<vmem>>, vector<16xf32>,
    %dma_wait3A_234 = tpu.memref_slice %arg2[%mul3A_2] : memref<16384xi32, #tpu.memory_space<hbm>> -> memref<1024xi32, #tpu.memory_space<hbm>>
    %dma_wait3A_235 = tpu.memref_slice %arg2[%mul3A_2] : memref<16384xi32, #tpu.memory_space<hbm>> -> memref<1024xi32, #tpu.memory_space<hbm>>
    tpu.wait_dma2 semaphore(%arg16 : memref<!tpu.dma_semaphore, #tpu.memory_space<semaphore_mem>>) src(%dma_wait3A_235 : memref<1024xi32, #tpu.memory_space<hbm>>) dst(%arg8 : memref<1024xi32, #tpu.memory_space<vmem>>)
    %parallel_loop3A = arith.constant 0 : i32
    %parallel_loop3A_236 = arith.constant 1024 : i32
    %parallel_loop3A_237 = arith.constant 16 : i32
    scf.for %parallel_loop3A_288 = %parallel_loop3A to %parallel_loop3A_236 step %parallel_loop3A_237  : i32 {
      %parallel_loop3A_289 = arith.index_cast %parallel_loop3A_288 : i32 to index
      %parallel_loop3A_290 = tpu.vector_load %arg8[%parallel_loop3A_289] {strides = array<i32>} : memref<1024xi32, #tpu.memory_space<vmem>>, vector<16xi32>,
      %parallel_loop3A_291 = tpu.vector_load_idx %arg10[%parallel_loop3A_290] : memref<112xf32, #tpu.memory_space<vmem>>[vector<16xi32>], vector<16xf32>,
      %parallel_loop3A_292 = tpu.vector_load_idx %arg11[%parallel_loop3A_290] : memref<112xf32, #tpu.memory_space<vmem>>[vector<16xi32>], vector<16xf32>,
      %parallel_loop3A_293 = arith.index_cast %parallel_loop3A_288 : i32 to index
      %parallel_loop3A_294 = tpu.vector_load %arg12[%parallel_loop3A_293] {strides = array<i32>} : memref<1024xf32, #tpu.memory_space<vmem>>, vector<16xf32>,
      tpu.vector_store %arg12[%parallel_loop3A_293], %parallel_loop3A_291 {strides = array<i32>} : memref<1024xf32, #tpu.memory_space<vmem>>, vector<16xf32>,
      %parallel_loop3A_295 = arith.constant 1.000000e+00 : f32
      %parallel_loop3A_296 = vector.broadcast %parallel_loop3A_295 : f32 to vector<16xf32>
      %parallel_loop3A_297 = arith.subf %parallel_loop3A_296, %parallel_loop3A_292 : vector<16xf32>
      %parallel_loop3A_298 = arith.index_cast %parallel_loop3A_288 : i32 to index
      %parallel_loop3A_299 = tpu.vector_load %arg13[%parallel_loop3A_298] {strides = array<i32>} : memref<1024xf32, #tpu.memory_space<vmem>>, vector<16xf32>,
      tpu.vector_store %arg13[%parallel_loop3A_298], %parallel_loop3A_297 {strides = array<i32>} : memref<1024xf32, #tpu.memory_space<vmem>>, vector<16xf32>,
      %parallel_loop3A_300 = arith.constant 1.000000e+00 : f32
      %parallel_loop3A_301 = vector.broadcast %parallel_loop3A_300 : f32 to vector<16xf32>
      %parallel_loop3A_302 = arith.subf %parallel_loop3A_301, %parallel_loop3A_291 : vector<16xf32>
      %parallel_loop3A_303 = arith.index_cast %parallel_loop3A_288 : i32 to index
      %parallel_loop3A_304 = tpu.vector_load %arg14[%parallel_loop3A_303] {strides = array<i32>} : memref<1024xf32, #tpu.memory_space<vmem>>, vector<16xf32>,
      tpu.vector_store %arg14[%parallel_loop3A_303], %parallel_loop3A_302 {strides = array<i32>} : memref<1024xf32, #tpu.memory_space<vmem>>, vector<16xf32>,
      %parallel_loop3A_305 = arith.index_cast %parallel_loop3A_288 : i32 to index
      %parallel_loop3A_306 = tpu.vector_load %arg15[%parallel_loop3A_305] {strides = array<i32>} : memref<1024xf32, #tpu.memory_space<vmem>>, vector<16xf32>,
      tpu.vector_store %arg15[%parallel_loop3A_305], %parallel_loop3A_292 {strides = array<i32>} : memref<1024xf32, #tpu.memory_space<vmem>>, vector<16xf32>,
    } {sc.loop_unroll_factor = 4 : i64, sc.parallel_access}
    %add3A_238 = arith.constant 0 : i32
    %add3A_239 = arith.addi %mul3A_2, %add3A_238 : i32
    %dma_start3A_240 = arith.constant 0 : i32
    %dma_start3A_241 = tpu.memref_slice %arg12[%dma_start3A_240] : memref<1024xf32, #tpu.memory_space<vmem>> -> memref<1024xf32, #tpu.memory_space<vmem>>
    %dma_start3A_242 = tpu.memref_slice %arg4[%add3A_239] : memref<16384xf32, #tpu.memory_space<hbm>> -> memref<1024xf32, #tpu.memory_space<hbm>>
    %dma_start3A_243 = tpu.memref_slice %arg4[%add3A_239] : memref<16384xf32, #tpu.memory_space<hbm>> -> memref<1024xf32, #tpu.memory_space<hbm>>
    %dma_start3A_244 = arith.constant 0 : i32
    %dma_start3A_245 = tpu.memref_slice %arg12[%dma_start3A_244] : memref<1024xf32, #tpu.memory_space<vmem>> -> memref<1024xf32, #tpu.memory_space<vmem>>
    tpu.enqueue_dma source(%dma_start3A_245 : memref<1024xf32, #tpu.memory_space<vmem>>) target(%dma_start3A_243 : memref<1024xf32, #tpu.memory_space<hbm>>) target_semaphore(%arg18 : memref<!tpu.dma_semaphore, #tpu.memory_space<semaphore_mem>>)
    %dma_start3A_246 = arith.constant 0 : i32
    %dma_start3A_247 = tpu.memref_slice %arg13[%dma_start3A_246] : memref<1024xf32, #tpu.memory_space<vmem>> -> memref<1024xf32, #tpu.memory_space<vmem>>
    %dma_start3A_248 = tpu.memref_slice %arg5[%add3A_239] : memref<16384xf32, #tpu.memory_space<hbm>> -> memref<1024xf32, #tpu.memory_space<hbm>>
    %dma_start3A_249 = tpu.memref_slice %arg5[%add3A_239] : memref<16384xf32, #tpu.memory_space<hbm>> -> memref<1024xf32, #tpu.memory_space<hbm>>
    %dma_start3A_250 = arith.constant 0 : i32
    %dma_start3A_251 = tpu.memref_slice %arg13[%dma_start3A_250] : memref<1024xf32, #tpu.memory_space<vmem>> -> memref<1024xf32, #tpu.memory_space<vmem>>
    tpu.enqueue_dma source(%dma_start3A_251 : memref<1024xf32, #tpu.memory_space<vmem>>) target(%dma_start3A_249 : memref<1024xf32, #tpu.memory_space<hbm>>) target_semaphore(%arg18 : memref<!tpu.dma_semaphore, #tpu.memory_space<semaphore_mem>>)
    %dma_start3A_252 = arith.constant 0 : i32
    %dma_start3A_253 = tpu.memref_slice %arg14[%dma_start3A_252] : memref<1024xf32, #tpu.memory_space<vmem>> -> memref<1024xf32, #tpu.memory_space<vmem>>
    %dma_start3A_254 = tpu.memref_slice %arg6[%add3A_239] : memref<16384xf32, #tpu.memory_space<hbm>> -> memref<1024xf32, #tpu.memory_space<hbm>>
    %dma_start3A_255 = tpu.memref_slice %arg6[%add3A_239] : memref<16384xf32, #tpu.memory_space<hbm>> -> memref<1024xf32, #tpu.memory_space<hbm>>
    %dma_start3A_256 = arith.constant 0 : i32
    %dma_start3A_257 = tpu.memref_slice %arg14[%dma_start3A_256] : memref<1024xf32, #tpu.memory_space<vmem>> -> memref<1024xf32, #tpu.memory_space<vmem>>
    tpu.enqueue_dma source(%dma_start3A_257 : memref<1024xf32, #tpu.memory_space<vmem>>) target(%dma_start3A_255 : memref<1024xf32, #tpu.memory_space<hbm>>) target_semaphore(%arg18 : memref<!tpu.dma_semaphore, #tpu.memory_space<semaphore_mem>>)
    %dma_start3A_258 = arith.constant 0 : i32
    %dma_start3A_259 = tpu.memref_slice %arg15[%dma_start3A_258] : memref<1024xf32, #tpu.memory_space<vmem>> -> memref<1024xf32, #tpu.memory_space<vmem>>
    %dma_start3A_260 = tpu.memref_slice %arg7[%add3A_239] : memref<16384xf32, #tpu.memory_space<hbm>> -> memref<1024xf32, #tpu.memory_space<hbm>>
    %dma_start3A_261 = tpu.memref_slice %arg7[%add3A_239] : memref<16384xf32, #tpu.memory_space<hbm>> -> memref<1024xf32, #tpu.memory_space<hbm>>
    %dma_start3A_262 = arith.constant 0 : i32
    %dma_start3A_263 = tpu.memref_slice %arg15[%dma_start3A_262] : memref<1024xf32, #tpu.memory_space<vmem>> -> memref<1024xf32, #tpu.memory_space<vmem>>
    tpu.enqueue_dma source(%dma_start3A_263 : memref<1024xf32, #tpu.memory_space<vmem>>) target(%dma_start3A_261 : memref<1024xf32, #tpu.memory_space<hbm>>) target_semaphore(%arg18 : memref<!tpu.dma_semaphore, #tpu.memory_space<semaphore_mem>>)
    %dma_wait3A_264 = arith.constant 0 : i32
    %dma_wait3A_265 = tpu.memref_slice %arg12[%dma_wait3A_264] : memref<1024xf32, #tpu.memory_space<vmem>> -> memref<1024xf32, #tpu.memory_space<vmem>>
    %dma_wait3A_266 = tpu.memref_slice %arg4[%add3A_239] : memref<16384xf32, #tpu.memory_space<hbm>> -> memref<1024xf32, #tpu.memory_space<hbm>>
    %dma_wait3A_267 = tpu.memref_slice %arg4[%add3A_239] : memref<16384xf32, #tpu.memory_space<hbm>> -> memref<1024xf32, #tpu.memory_space<hbm>>
    %dma_wait3A_268 = arith.constant 0 : i32
    %dma_wait3A_269 = tpu.memref_slice %arg12[%dma_wait3A_268] : memref<1024xf32, #tpu.memory_space<vmem>> -> memref<1024xf32, #tpu.memory_space<vmem>>
    tpu.wait_dma2 semaphore(%arg18 : memref<!tpu.dma_semaphore, #tpu.memory_space<semaphore_mem>>) src(%dma_wait3A_269 : memref<1024xf32, #tpu.memory_space<vmem>>) dst(%dma_wait3A_267 : memref<1024xf32, #tpu.memory_space<hbm>>)
    %dma_wait3A_270 = arith.constant 0 : i32
    %dma_wait3A_271 = tpu.memref_slice %arg13[%dma_wait3A_270] : memref<1024xf32, #tpu.memory_space<vmem>> -> memref<1024xf32, #tpu.memory_space<vmem>>
    %dma_wait3A_272 = tpu.memref_slice %arg5[%add3A_239] : memref<16384xf32, #tpu.memory_space<hbm>> -> memref<1024xf32, #tpu.memory_space<hbm>>
    %dma_wait3A_273 = tpu.memref_slice %arg5[%add3A_239] : memref<16384xf32, #tpu.memory_space<hbm>> -> memref<1024xf32, #tpu.memory_space<hbm>>
    %dma_wait3A_274 = arith.constant 0 : i32
    %dma_wait3A_275 = tpu.memref_slice %arg13[%dma_wait3A_274] : memref<1024xf32, #tpu.memory_space<vmem>> -> memref<1024xf32, #tpu.memory_space<vmem>>
    tpu.wait_dma2 semaphore(%arg18 : memref<!tpu.dma_semaphore, #tpu.memory_space<semaphore_mem>>) src(%dma_wait3A_275 : memref<1024xf32, #tpu.memory_space<vmem>>) dst(%dma_wait3A_273 : memref<1024xf32, #tpu.memory_space<hbm>>)
    %dma_wait3A_276 = arith.constant 0 : i32
    %dma_wait3A_277 = tpu.memref_slice %arg14[%dma_wait3A_276] : memref<1024xf32, #tpu.memory_space<vmem>> -> memref<1024xf32, #tpu.memory_space<vmem>>
    %dma_wait3A_278 = tpu.memref_slice %arg6[%add3A_239] : memref<16384xf32, #tpu.memory_space<hbm>> -> memref<1024xf32, #tpu.memory_space<hbm>>
    %dma_wait3A_279 = tpu.memref_slice %arg6[%add3A_239] : memref<16384xf32, #tpu.memory_space<hbm>> -> memref<1024xf32, #tpu.memory_space<hbm>>
    %dma_wait3A_280 = arith.constant 0 : i32
    %dma_wait3A_281 = tpu.memref_slice %arg14[%dma_wait3A_280] : memref<1024xf32, #tpu.memory_space<vmem>> -> memref<1024xf32, #tpu.memory_space<vmem>>
    tpu.wait_dma2 semaphore(%arg18 : memref<!tpu.dma_semaphore, #tpu.memory_space<semaphore_mem>>) src(%dma_wait3A_281 : memref<1024xf32, #tpu.memory_space<vmem>>) dst(%dma_wait3A_279 : memref<1024xf32, #tpu.memory_space<hbm>>)
    %dma_wait3A_282 = arith.constant 0 : i32
    %dma_wait3A_283 = tpu.memref_slice %arg15[%dma_wait3A_282] : memref<1024xf32, #tpu.memory_space<vmem>> -> memref<1024xf32, #tpu.memory_space<vmem>>
    %dma_wait3A_284 = tpu.memref_slice %arg7[%add3A_239] : memref<16384xf32, #tpu.memory_space<hbm>> -> memref<1024xf32, #tpu.memory_space<hbm>>
    %dma_wait3A_285 = tpu.memref_slice %arg7[%add3A_239] : memref<16384xf32, #tpu.memory_space<hbm>> -> memref<1024xf32, #tpu.memory_space<hbm>>
    %dma_wait3A_286 = arith.constant 0 : i32
    %dma_wait3A_287 = tpu.memref_slice %arg15[%dma_wait3A_286] : memref<1024xf32, #tpu.memory_space<vmem>> -> memref<1024xf32, #tpu.memory_space<vmem>>
    tpu.wait_dma2 semaphore(%arg18 : memref<!tpu.dma_semaphore, #tpu.memory_space<semaphore_mem>>) src(%dma_wait3A_287 : memref<1024xf32, #tpu.memory_space<vmem>>) dst(%dma_wait3A_285 : memref<1024xf32, #tpu.memory_space<hbm>>)
    return
  }
}

</mosaic_0001>

<sc_bundles>
// kernel: kernel.3.cloned.1.call-start
scs
__scs_entry_jumppad:
0x0: {  	(pc) =	sbr.rel $0x88, $3  }
0x1: {  	(tag) =	ssettag $0x0;
	lr =	simm.s32 $0x1  }
0x2: {  	[smem:$0x3F9F] =	sst lr;
	_ =	strace $0xD0000000  }
0x3: {  	_ = 	snop  }
0x4: {  	_ = 	snop  }
0x5: {  	_ = 	snop  }
0x6: {  	_ = 	snop  }
0x7: {  	_ = 	snop  }
__scs_overlays_trampoline_lowered:
0x8: {  	[smem:$0x3FAE] =	sst s0  }
0x9: {  	[smem:$0x3FAF] =	sst s1  }
0xa: {  	[smem:$0x3FB0] =	sst s2  }
0xb: {  	[smem:$0x3FB1] =	sst s3  }
0xc: {  	[smem:$0x3FB2] =	sst s4  }
0xd: {  	[smem:$0x3FB3] =	sst s5  }
0xe: {  	[smem:$0x3FB4] =	sst s6  }
0xf: {  	[smem:$0x3FB5] =	sst s7  }
0x10: {  	[smem:$0x3FB6] =	sst s8  }
0x11: {  	[smem:$0x3FB7] =	sst s9;
	s0 =	simm.s32 @!p0 $0x0  }
0x12: {  	s1 =	sld [smem:$0x3F9D];
	s0 =	simm.s32 @p0 $0x1  }
0x13: {  	[smem:$0x3FB8] =	sst s0;
	s0 =	simm.s32 @!p1 $0x0  }
0x14: {  	s2 =	sld [smem:$0x3F9C];
	s0 =	simm.s32 @p1 $0x1  }
0x15: {  	[smem:$0x3FB9] =	sst s0;
	s0 =	simm.s32 @!p2 $0x0  }
0x16: {  	s3 =	sld [smem:$0x3FDB];
	s0 =	simm.s32 @p2 $0x1  }
0x17: {  	s4 =	simm.s32 $0x1BF5;
	[smem:$0x3FBB] =	sst s0  }
0x18: {  	s0 =	sld [smem:$0x3F9E];
	_ =	swait.ge [sflag:s4], $0x0  }
0x19: {  	s7 =	sld [smem:$0x3F9F]  }
0x1a: {  	s8 =	sadd.s32 $0xFFFFE003, lr  }
0x1b: {  	s9 =	sadd.s32 $0xFFFFFEF7, lr;
	s5 =	simm.s32 $0xFFFFFFFF;
	p2 =	slt.u32 s8, $0xFFFFF086  }
0x1c: {  	p1 =	slt.u32 s9, $0xF7A;
	s5 =	simm.s32 @!p2 $0x0  }
0x1d: {  	s5 =	simm.s32 @p1 $0x1;
	p0 =	seq.s32 s7, s2  }
0x1e: {  	s7 =	smul.u32 @!p0 $0xF7A, s2;
	p2 =	seq.s32 @!p0 s5, $0x0  }
0x1f: {  	s9 =	smul.u32 $0xF7A, s1;
	s8 =	simm.s32 @!p0 $0x1BF5;
	p2 =	por !p2, p0  }
0x20: {  	[sflag:s8] =	ssyncset.s32 @!p0 $0xFFFFF086;
	s6 =	sadd.s32 @!p0 s3, s7;
	s7 =	simm.s32 @!p0 $0x108  }
0x21: {  	s3 =	sadd.s32 s3, s9;
	s6 =	sadd.s32 @!p0 $0x88, s6;
	s7 =	simm.s32 @p2 $0x1082  }
0x22: {  	[simem:s7], [sflag:s8] =	dma.local @!p0 [hbm:s6], $0xF7A  }
0x23: {  	s9 =	sor.u32 $0xD0000000, s2;
	s6 =	simm.s32 $0x108;
	_ =	swait.ge @!p0 [sflag:s8], $0x0  }
0x24: {  	s3 =	sadd.s32 $0x88, s3;
	s6 =	simm.s32 @!p1 $0x1082;
	[sflag:s4] =	ssyncset.s32 $0xFFFFF086  }
0x25: {  	[simem:s6], [sflag:s4] =	dma.local [hbm:s3], $0xF7A  }
0x26: {  	[smem:$0x3F9F] =	sst s1;
	(tag) =	ssettag s2;
	_ =	strace s9  }
0x27: {  	s1 =	sld [smem:$0x3FAF]  }
0x28: {  	s2 =	sld [smem:$0x3FB0]  }
0x29: {  	s4 =	sld [smem:$0x3FB2]  }
0x2a: {  	p0 =	seq.s32 s5, $0x0;
	s5 =	sld [smem:$0x3FB3]  }
0x2b: {  	s6 =	sld [smem:$0x3FB4]  }
0x2c: {  	s7 =	sld [smem:$0x3FB5]  }
0x2d: {  	s3 =	simm.s32 $0x108;
	s8 =	sld [smem:$0x3FB6]  }
0x2e: {  	s3 =	simm.s32 @!p0 $0x1082;
	s9 =	sld [smem:$0x3FB7]  }
0x2f: {  	lr =	sadd.s32 s0, s3;
	s0 =	sld [smem:$0x3FAE]  }
0x30: {  	s3 =	sld [smem:$0x3FB1]  }
0x31: {  	[smem:$0x3FBA] =	sst s10  }
0x32: {  	s10 =	sld [smem:$0x3FB8];
	_ =	sdelay $0x3  }
0x33: {  	p0 =	seq.s32 s10, $0x1;
	s10 =	sld [smem:$0x3FBA];
	_ =	sdelay $0x3  }
0x34: {  	[smem:$0x3FBA] =	sst s10  }
0x35: {  	s10 =	sld [smem:$0x3FB9];
	_ =	sdelay $0x3  }
0x36: {  	p1 =	seq.s32 s10, $0x1;
	s10 =	sld [smem:$0x3FBA];
	_ =	sdelay $0x3  }
0x37: {  	[smem:$0x3FBA] =	sst s10  }
0x38: {  	s10 =	sld [smem:$0x3FBB]  }
0x39: {  	_ = 	snop;
	(pc) =	sbr.ind lr, $3  }
0x3a: {  	_ = 	snop  }
0x3b: {  	_ = 	snop  }
0x3c: {  	p2 =	seq.s32 s10, $0x1;
	s10 =	sld [smem:$0x3FBA]  }
0x3d: {  	_ =	shalt  }
0x3e: {  	_ =	shalt  }
0x3f: {  	_ =	shalt  }
0x40: {  	_ =	shalt  }
0x41: {  	_ =	shalt  }
0x42: {  	_ =	shalt  }
0x43: {  	_ =	shalt  }
0x44: {  	_ =	shalt  }
0x45: {  	_ =	shalt  }
0x46: {  	_ =	shalt  }
0x47: {  	_ =	shalt  }
0x48: {  	_ =	shalt  }
0x49: {  	_ =	shalt  }
0x4a: {  	_ =	shalt  }
0x4b: {  	_ =	shalt  }
0x4c: {  	_ =	shalt  }
0x4d: {  	_ =	shalt  }
0x4e: {  	_ =	shalt  }
0x4f: {  	_ =	shalt  }
0x50: {  	_ =	shalt  }
0x51: {  	_ =	shalt  }
0x52: {  	_ =	shalt  }
0x53: {  	_ =	shalt  }
0x54: {  	_ =	shalt  }
0x55: {  	_ =	shalt  }
0x56: {  	_ =	shalt  }
0x57: {  	_ =	shalt  }
0x58: {  	_ =	shalt  }
0x59: {  	_ =	shalt  }
0x5a: {  	_ =	shalt  }
0x5b: {  	_ =	shalt  }
0x5c: {  	_ =	shalt  }
0x5d: {  	_ =	shalt  }
0x5e: {  	_ =	shalt  }
0x5f: {  	_ =	shalt  }
0x60: {  	_ =	shalt  }
0x61: {  	_ =	shalt  }
0x62: {  	_ =	shalt  }
0x63: {  	_ =	shalt  }
0x64: {  	_ =	shalt  }
0x65: {  	_ =	shalt  }
0x66: {  	_ =	shalt  }
0x67: {  	_ =	shalt  }
0x68: {  	_ =	shalt  }
0x69: {  	_ =	shalt  }
0x6a: {  	_ =	shalt  }
0x6b: {  	_ =	shalt  }
0x6c: {  	_ =	shalt  }
0x6d: {  	_ =	shalt  }
0x6e: {  	_ =	shalt  }
0x6f: {  	_ =	shalt  }
0x70: {  	_ =	shalt  }
0x71: {  	_ =	shalt  }
0x72: {  	_ =	shalt  }
0x73: {  	_ =	shalt  }
0x74: {  	_ =	shalt  }
0x75: {  	_ =	shalt  }
0x76: {  	_ =	shalt  }
0x77: {  	_ =	shalt  }
0x78: {  	_ =	shalt  }
0x79: {  	_ =	shalt  }
0x7a: {  	_ =	shalt  }
0x7b: {  	_ =	shalt  }
0x7c: {  	_ =	shalt  }
0x7d: {  	_ =	shalt  }
0x7e: {  	_ =	shalt  }
0x7f: {  	_ =	shalt  }
0x80: {  	_ =	shalt  }
0x81: {  	_ =	shalt  }
0x82: {  	_ =	shalt  }
0x83: {  	_ =	shalt  }
0x84: {  	_ =	shalt  }
0x85: {  	_ =	shalt  }
0x86: {  	_ =	shalt  }
0x87: {  	_ =	shalt  }
.Lfunc_end0:
.L_simem_size_0:
called_computation_lowered:
.L_overlay_start_0:
0x88: {  	s0 =	sld [smem:$0x3FD9]  }
0x89: {  	s1 =	sld [smem:$0x3FFE];
	_ =	sdelay $0x3  }
0x8a: {  	s0 =	sadd.s32 s1, s0  }
0x8b: {  	[smem:$0x3FC6] =	sst s0  }
0x8c: {  	_ = 	snop  }
0x8d: {  	s0 =	sld [smem:$0x3FD0];
	_ =	sdelay $0x1  }
0x8e: {  	s14 =	sld [smem:$0x3FC9]  }
0x8f: {  	s3 =	simm.s32 $0xA;
	s4 =	simm.s32 $0x10;
	s2 =	sld [smem:$0x3FC8]  }
0x90: {  	[smem:s4], [sflag:s3] =	dma.local [hbm:s0], $0x1  }
0x91: {  	_ =	swait.eq [sflag:s3], $0x1  }
0x92: {  	s15 =	sld [smem:$0x10]  }
0x93: {  	s16 =	sld [smem:$0x11];
	[sflag:s3] =	ssyncset.done $0x0  }
0x94: {  	s5 =	sld [smem:$0x12];
	[sflag:s3] =	ssyncadd.s32 $0xFFFFFFFF  }
0x95: {  	s17 =	sld [smem:$0x13];
	(tm) =	ssettm $0x1  }
0x96: {  	s6 =	sld [smem:$0x3FFB];
	_ =	sdelay $0x3  }
0x97: {  	_ =	strace s6  }
0x98: {  	s6 =	sld [smem:$0x3FFC];
	_ =	sdelay $0x3  }
0x99: {  	_ =	strace s6  }
0x9a: {  	s6 =	sld [smem:$0x3FFD];
	_ =	sdelay $0x3  }
0x9b: {  	_ =	strace s6  }
0x9c: {  	_ =	strace $0x8FFFFFFF  }
0x9d: {  	s18 =	sld [smem:$0x3FDB];
	_ =	sdelay $0x1  }
0x9e: {  	s7 =	simm.s32 $_scs_section_size  }
0x9f: {  	s8 =	simm.s32 $_size__tile_overlayer_lowered;
	s9 =	simm.s32 $_tile_overlayer_lowered  }
0xa0: {  	s21 =	simm.s32 $0x1BFF;
	s20 =	sshll.u32 s9, $0x1;
	s6 =	sadd.s32 s7, s18  }
0xa1: {  	s10 =	simm.s32 $0x0;
	s19 =	sshll.u32 s8, $0x1;
	s8 =	sadd.s32 s20, s6  }
0xa2: {  	[timem:s10], [sflag:s21] =	dma.local [hbm:s8], s19  }
0xa3: {  	_ =	swait.ge [sflag:s21], s19  }
0xa4: {  	s7 =	ssub.s32 $0x0, s19;
	[sflag:s21] =	ssyncset.done $0x0  }
0xa5: {  	[sflag:s21] =	ssyncadd.s32 s7;
	_ =	sdelay $0x1  }
0xa6: {  	s22 =	simm.s32 $0x1B8B  }
0xa7: {  	_ =	swait.ge [sflag:s22], $0x1  }
0xa8: {  	[sflag:s22] =	ssyncset.done $0x0  }
0xa9: {  	s23 =	simm.s32 $0x1B8E;
	[sflag:s22] =	ssyncadd.s32 $0xFFFFFFFF  }
0xaa: {  	s24 =	simm.s32 $execute0_lowered;
	[smem:$0x3FD2] =	sst s23  }
0xab: {  	s7 =	sshll.u32 s24, $0x1;
	_ =	strace $0x80000046;
	[dreg:$0x1] =	wrdreg $0xFFFFFFFF  }
0xac: {  	s25 =	simm.s32 $_size_execute0_lowered;
	s6 =	sadd.s32 s6, s7;
	[dreg:$0x0] =	wrdreg $0x0  }
0xad: {  	s7 =	sshll.u32 s25, $0x1;
	[dreg:$0x2] =	wrdreg s6  }
0xae: {  	[dreg:$0x3] =	wrdreg s7  }
0xaf: {  	[dreg:$0x4] =	wrdreg $0xC0  }
0xb0: {  	_ =	task [dreg:s10], $0x5FFFF  }
0xb1: {  	[dreg:$0x1] =	wrdreg $0xFFFFFFFF  }
0xb2: {  	[dreg:$0x0] =	wrdreg $0x60  }
0xb3: {  	[dreg:$0x2] =	wrdreg s14  }
0xb4: {  	[dreg:$0x3] =	wrdreg s2  }
0xb5: {  	[dreg:$0x4] =	wrdreg s15  }
0xb6: {  	[dreg:$0x5] =	wrdreg s16  }
0xb7: {  	[dreg:$0x6] =	wrdreg s5  }
0xb8: {  	[dreg:$0x7] =	wrdreg s17  }
0xb9: {  	[dreg:$0x8] =	wrdreg $0x9  }
0xba: {  	_ =	task.clear_ibuf [dreg:s10], $0x9FFFF;
	_ =	strace $0x90000046  }
0xbb: {  	s26 =	simm.s32 $0x9;
	_ =	strace $0x80000048  }
0xbc: {  	_ =	swait.ge [sflag:s26], $0x1  }
0xbd: {  	[sflag:s26] =	ssyncadd.s32 $0xFFFFFFFF  }
0xbe: {  	_ =	strace $0x90000048  }
0xbf: {  	_ =	sfence  }
0xc0: {  	s28 =	sld [smem:$0x0];
	_ =	sdelay $0x1  }
0xc1: {  	s29 =	srdreg.scid  }
0xc2: {  	s30 =	sshll.u32 s29, $0xD;
	s31 =	sshrl.u32 s29, $0x2  }
0xc3: {  	s1 =	sand.u32 $0x1, s29;
	s2 =	sand.u32 $0x4000, s30;
	s0 =	sadd.s32 s31, s28  }
0xc4: {  	s1 =	sor.u32 s2, s1;
	s0 =	sshll.u32 s0, $0x11  }
0xc5: {  	s0 =	sor.u32 s0, s1  }
0xc6: {  	s0 =	sadd.s32 $0x8F2B, s0  }
0xc7: {  	[sflag:s0] =	ssyncadd.remote.s32 $0x1  }
0xc8: {  	_ =	sfence.sel $0xFFFF  }
0xc9: {  	[dreg:$0x0] =	wrdreg $0xFFFFFFFF;
	(pc) =	sbr.abs _section_cstart, $3  }
0xca: {  	[dreg:$0x1] =	wrdreg $0xFFFFFFFF  }
0xcb: {  	_ =	task.clear_ibuf [dreg:s10], $0x2FFFF;
	_ =	strace $0x9FFFFFFF  }
0xcc: {  	(tm) =	ssettm $0x7FFFFFFF  }
0xcd: {  	_ =	shalt  }
tec
execute0_lowered:
.L_overlay_start_1:
0x0: {  	(tag) =	ssettag $0x1  }
0x1: {  	s7 =	rddreg [dreg:$0x0]  }
0x2: {  	s8 =	rddreg [dreg:$0x1]  }
0x3: {  	s6 =	rddreg [dreg:$0x2]  }
0x4: {  	s4 =	rddreg [dreg:$0x3]  }
0x5: {  	s3 =	rddreg [dreg:$0x4]  }
0x6: {  	s2 =	rddreg [dreg:$0x5];
	s9 =	simm.s32 $0x0;
	s1 =	stileid.u32  }
0x7: {  	[smem:$0x7FF] =	sst s9;
	s5 =	sshll.u32 s1, $0x7  }
0x8: {  	s0 =	rddreg [dreg:$0x6];
	_ =	strace $0x80000047;
	s7 =	sadd.s32 s7, s5  }
0x9: {  	[tilespmem:s9], [sflag:$0x1] =	stream.linear.gather [hbm4b:s7+s9], $0x400, $0x38;
	[tilespmem:$0x1580] =	vst v63  }
0xa: {  	s28 =	simm.s32 $0x400;
	s29 =	simm.s32 $0x2  }
0xb: {  	[tilespmem:s28], [sflag:$0x2] =	stream.linear.gather [hbm4b:s8+s9], $0x64, $0x38;
	[tilespmem:$0x1580] =	vst v63  }
0xc: {  	_ =	swait.ge [sflag:s29], $0x64  }
0xd: {  	v0 =	vimm.s32 $0xEDCBA987;
	[sflag:s29] =	ssyncset.done $0x0  }
0xe: {  	v1 =	vimm.s32 $0x65432100;
	v0 =	vunpack.c.l.s4.s8 v0;
	[sflag:s29] =	ssyncadd.s32 $0xFFFFFF9C  }
0xf: {  	v1 =	vunpack.c.l.s4.s8 v1;
	v2 =	vld [tilespmem:$0x400]  }
0x10: {  	v0 =	vunpack.c.0.s8.s32 v0  }
0x11: {  	v1 =	vunpack.c.0.s8.s32 v1  }
0x12: {  	v0 =	vand.u32 $0xF, v0  }
0x13: {  	v0 =	vcombine.low v1, v0  }
0x14: {  	v1 =	vmul.f32 $1.442695020e+00, v2;
	_ =	sdelay $0x1  }
0x15: {  	(erf) = vpow2.f32 v1;
	_ =	sdelay $0x2  }
0x16: {  	v0 =	vld.idx.msk [tilespmem:v0+s28+$0x0], $0xffff;
	_ =	sdelay $0x4  }
0x17: {  	v1 =	vmul.f32 $1.442695020e+00, v0  }
0x18: {  	v3 =	vpop (erf)  }
0x19: {  	v0 =	vsub.f32 v2, v0;
	(erf) = vpow2.f32 v1;
	v1 =	vadd.f32 $1.000000000e+00, v3;
	_ =	sdelay $0x1  }
0x1a: {  	v0 =	vmul.f32 $1.442695020e+00, v0;
	(erf) = vrcp.f32 v1;
	_ =	sdelay $0x1  }
0x1b: {  	(erf) = vpow2.f32 v0;
	_ =	sdelay $0x2  }
0x1c: {  	v0 =	vld [tilespmem:$0x410];
	_ =	sdelay $0x1  }
0x1d: {  	v1 =	vpop (erf)  }
0x1e: {  	v1 =	vadd.f32 $1.000000000e+00, v1  }
0x1f: {  	v4 =	vlaneseq.u32;
	v2 =	vpop (erf)  }
0x20: {  	v5 =	vadd.s32 $0xF, v4;
	v6 =	vmul.f32 $1.442695020e+00, v0;
	v1 =	vmul.f32 v2, v1  }
0x21: {  	v2 =	vmul.f32 v2, v3;
	v3 =	vpop (erf)  }
0x22: {  	(erf) = vpow2.f32 v6;
	v1 =	vmul.f32 v1, v3  }
0x23: {  	[tilespmem:$0x480] =	vst v2  }
0x24: {  	[tilespmem:$0x500] =	vst v1  }
0x25: {  	v1 =	vld.idx.msk [tilespmem:v5+s28+$0x0], $0xffff;
	_ =	sdelay $0x4  }
0x26: {  	v2 =	vmul.f32 $1.442695020e+00, v1  }
0x27: {  	v3 =	vpop (erf)  }
0x28: {  	v0 =	vsub.f32 v0, v1;
	(erf) = vpow2.f32 v2;
	v2 =	vadd.f32 $1.000000000e+00, v3;
	_ =	sdelay $0x1  }
0x29: {  	v0 =	vmul.f32 $1.442695020e+00, v0;
	(erf) = vrcp.f32 v2;
	_ =	sdelay $0x1  }
0x2a: {  	(erf) = vpow2.f32 v0;
	_ =	sdelay $0x2  }
0x2b: {  	v0 =	vld [tilespmem:$0x420];
	_ =	sdelay $0x1  }
0x2c: {  	v1 =	vpop (erf)  }
0x2d: {  	v1 =	vadd.f32 $1.000000000e+00, v1  }
0x2e: {  	v2 =	vpop (erf)  }
0x2f: {  	v5 =	vadd.s32 $0x1F, v4;
	v6 =	vmul.f32 $1.442695020e+00, v0;
	v1 =	vmul.f32 v2, v1  }
0x30: {  	v2 =	vmul.f32 v2, v3;
	v3 =	vpop (erf)  }
0x31: {  	(erf) = vpow2.f32 v6;
	v1 =	vmul.f32 v1, v3  }
0x32: {  	[tilespmem:$0x490] =	vst v2  }
0x33: {  	[tilespmem:$0x510] =	vst v1  }
0x34: {  	v1 =	vld.idx.msk [tilespmem:v5+s28+$0x0], $0xffff;
	_ =	sdelay $0x4  }
0x35: {  	v2 =	vmul.f32 $1.442695020e+00, v1  }
0x36: {  	v3 =	vpop (erf)  }
0x37: {  	v0 =	vsub.f32 v0, v1;
	(erf) = vpow2.f32 v2;
	v2 =	vadd.f32 $1.000000000e+00, v3;
	_ =	sdelay $0x1  }
0x38: {  	v0 =	vmul.f32 $1.442695020e+00, v0;
	(erf) = vrcp.f32 v2;
	_ =	sdelay $0x1  }
0x39: {  	(erf) = vpow2.f32 v0;
	_ =	sdelay $0x2  }
0x3a: {  	v0 =	vld [tilespmem:$0x430];
	_ =	sdelay $0x1  }
0x3b: {  	v1 =	vpop (erf)  }
0x3c: {  	v1 =	vadd.f32 $1.000000000e+00, v1  }
0x3d: {  	v2 =	vpop (erf)  }
0x3e: {  	v5 =	vadd.s32 $0x2F, v4;
	v6 =	vmul.f32 $1.442695020e+00, v0;
	v1 =	vmul.f32 v2, v1  }
0x3f: {  	v2 =	vmul.f32 v2, v3;
	v3 =	vpop (erf)  }
0x40: {  	(erf) = vpow2.f32 v6;
	v1 =	vmul.f32 v1, v3  }
0x41: {  	[tilespmem:$0x4A0] =	vst v2  }
0x42: {  	[tilespmem:$0x520] =	vst v1  }
0x43: {  	v1 =	vld.idx.msk [tilespmem:v5+s28+$0x0], $0xffff;
	_ =	sdelay $0x4  }
0x44: {  	v2 =	vmul.f32 $1.442695020e+00, v1  }
0x45: {  	v3 =	vpop (erf)  }
0x46: {  	v0 =	vsub.f32 v0, v1;
	(erf) = vpow2.f32 v2;
	v2 =	vadd.f32 $1.000000000e+00, v3;
	_ =	sdelay $0x1  }
0x47: {  	v0 =	vmul.f32 $1.442695020e+00, v0;
	(erf) = vrcp.f32 v2;
	_ =	sdelay $0x1  }
0x48: {  	(erf) = vpow2.f32 v0;
	_ =	sdelay $0x2  }
0x49: {  	v0 =	vld [tilespmem:$0x440];
	_ =	sdelay $0x1  }
0x4a: {  	v1 =	vpop (erf)  }
0x4b: {  	v1 =	vadd.f32 $1.000000000e+00, v1  }
0x4c: {  	v2 =	vpop (erf)  }
0x4d: {  	v5 =	vadd.s32 $0x3F, v4;
	v6 =	vmul.f32 $1.442695020e+00, v0;
	v1 =	vmul.f32 v2, v1  }
0x4e: {  	v2 =	vmul.f32 v2, v3;
	v3 =	vpop (erf)  }
0x4f: {  	(erf) = vpow2.f32 v6;
	v1 =	vmul.f32 v1, v3  }
0x50: {  	[tilespmem:$0x4B0] =	vst v2  }
0x51: {  	[tilespmem:$0x530] =	vst v1  }
0x52: {  	v1 =	vld.idx.msk [tilespmem:v5+s28+$0x0], $0xffff;
	_ =	sdelay $0x4  }
0x53: {  	v2 =	vmul.f32 $1.442695020e+00, v1  }
0x54: {  	v3 =	vpop (erf)  }
0x55: {  	v0 =	vsub.f32 v0, v1;
	(erf) = vpow2.f32 v2;
	v2 =	vadd.f32 $1.000000000e+00, v3;
	_ =	sdelay $0x1  }
0x56: {  	v0 =	vmul.f32 $1.442695020e+00, v0;
	(erf) = vrcp.f32 v2;
	_ =	sdelay $0x1  }
0x57: {  	(erf) = vpow2.f32 v0;
	_ =	sdelay $0x2  }
0x58: {  	v0 =	vld [tilespmem:$0x450];
	_ =	sdelay $0x1  }
0x59: {  	v1 =	vpop (erf)  }
0x5a: {  	v1 =	vadd.f32 $1.000000000e+00, v1  }
0x5b: {  	v2 =	vpop (erf)  }
0x5c: {  	v5 =	vadd.s32 $0x4F, v4;
	v6 =	vmul.f32 $1.442695020e+00, v0;
	v1 =	vmul.f32 v2, v1  }
0x5d: {  	v2 =	vmul.f32 v2, v3;
	v3 =	vpop (erf)  }
0x5e: {  	(erf) = vpow2.f32 v6;
	v1 =	vmul.f32 v1, v3  }
0x5f: {  	[tilespmem:$0x4C0] =	vst v2  }
0x60: {  	[tilespmem:$0x540] =	vst v1  }
0x61: {  	v1 =	vld.idx.msk [tilespmem:v5+s28+$0x0], $0xffff;
	_ =	sdelay $0x4  }
0x62: {  	v2 =	vmul.f32 $1.442695020e+00, v1  }
0x63: {  	v3 =	vpop (erf)  }
0x64: {  	v0 =	vsub.f32 v0, v1;
	(erf) = vpow2.f32 v2;
	v2 =	vadd.f32 $1.000000000e+00, v3;
	_ =	sdelay $0x1  }
0x65: {  	v0 =	vmul.f32 $1.442695020e+00, v0;
	(erf) = vrcp.f32 v2;
	_ =	sdelay $0x1  }
0x66: {  	(erf) = vpow2.f32 v0;
	_ =	sdelay $0x2  }
0x67: {  	v0 =	vld [tilespmem:$0x460];
	_ =	sdelay $0x1  }
0x68: {  	v1 =	vpop (erf)  }
0x69: {  	v1 =	vadd.f32 $1.000000000e+00, v1  }
0x6a: {  	v2 =	vpop (erf)  }
0x6b: {  	v4 =	vadd.s32 $0x5F, v4;
	v5 =	vmul.f32 $1.442695020e+00, v0;
	v1 =	vmul.f32 v2, v1  }
0x6c: {  	v2 =	vmul.f32 v2, v3;
	v3 =	vpop (erf)  }
0x6d: {  	(erf) = vpow2.f32 v5;
	v1 =	vmul.f32 v1, v3  }
0x6e: {  	[tilespmem:$0x4D0] =	vst v2  }
0x6f: {  	[tilespmem:$0x550] =	vst v1  }
0x70: {  	v1 =	vld.idx.msk [tilespmem:v4+s28+$0x0], $0xffff;
	_ =	sdelay $0x4  }
0x71: {  	v2 =	vmul.f32 $1.442695020e+00, v1  }
0x72: {  	v3 =	vpop (erf)  }
0x73: {  	v0 =	vsub.f32 v0, v1;
	(erf) = vpow2.f32 v2;
	v2 =	vadd.f32 $1.000000000e+00, v3;
	_ =	sdelay $0x1  }
0x74: {  	v0 =	vmul.f32 $1.442695020e+00, v0;
	(erf) = vrcp.f32 v2;
	_ =	sdelay $0x1  }
0x75: {  	(erf) = vpow2.f32 v0;
	_ =	sdelay $0x4  }
0x76: {  	v0 =	vpop (erf)  }
0x77: {  	v0 =	vadd.f32 $1.000000000e+00, v0  }
0x78: {  	v1 =	vpop (erf)  }
0x79: {  	v0 =	vmul.f32 v1, v0  }
0x7a: {  	v1 =	vmul.f32 v1, v3;
	v2 =	vpop (erf)  }
0x7b: {  	v0 =	vmul.f32 v0, v2  }
0x7c: {  	[tilespmem:$0x4E0] =	vst v1  }
0x7d: {  	s30 =	simm.s32 $0x1;
	[tilespmem:$0x560] =	vst v0  }
0x7e: {  	_ =	swait.ge [sflag:s30], $0x400  }
0x7f: {  	[sflag:s30] =	ssyncset.done $0x0  }
0x80: {  	s31 =	simm.s32 $0x20;
	[sflag:s30] =	ssyncadd.s32 $0xFFFFFC00  }
0x81: {  	v0 =	vld [tilespmem:s31+$0x10]  }
0x82: {  	v1 =	vld [tilespmem:s31+$0x0];
	_ =	sdelay $0x1  }
0x83: {  	v2 =	vld [tilespmem:s31+$0xFFFFFFF0];
	_ =	sdelay $0x3  }
0x84: {  	s8 =	simm.s32 $0x500  }
0x85: {  	s7 =	simm.s32 $0x480;
	v3 =	vld.idx.msk [tilespmem:v0+s8+$0x0], $0xffff  }
0x86: {  	v4 =	vld.idx.msk [tilespmem:v1+s7+$0x0], $0xffff  }
0x87: {  	v0 =	vld.idx.msk [tilespmem:v0+s7+$0x0], $0xffff  }
0x88: {  	v7 =	vld.idx.msk [tilespmem:v2+s8+$0x0], $0xffff  }
0x89: {  	v2 =	vld.idx.msk [tilespmem:v2+s7+$0x0], $0xffff  }
0x8a: {  	v5 =	vld [tilespmem:s31+$0xFFFFFFE0]  }
0x8b: {  	s11 =	simm.s32 $0x5A0  }
0x8c: {  	s12 =	simm.s32 $0x60;
	v1 =	vld.idx.msk [tilespmem:v1+s8+$0x0], $0xffff;
	[tilespmem:s11+$0x0] =	vst v4  }
0x8d: {  	v8 =	vld [tilespmem:s12+$0x10];
	v6 =	vsub.f32 $1.000000000e+00, v3;
	[tilespmem:s11+$0x10] =	vst v0  }
0x8e: {  	s13 =	simm.s32 $0x9A0;
	v0 =	vsub.f32 $1.000000000e+00, v0;
	[tilespmem:s11+$0xFFFFFFF0] =	vst v2  }
0x8f: {  	s9 =	simm.s32 $0xDA0;
	v9 =	vld [tilespmem:s12+$0x0];
	[tilespmem:s13+$0x10] =	vst v6  }
0x90: {  	s10 =	simm.s32 $0x11A0;
	[tilespmem:s9+$0x10] =	vst v0;
	v0 =	vsub.f32 $1.000000000e+00, v7  }
0x91: {  	v10 =	vld [tilespmem:s12+$0xFFFFFFF0];
	[tilespmem:s10+$0x10] =	vst v3;
	v3 =	vsub.f32 $1.000000000e+00, v1  }
0x92: {  	v11 =	vld.idx.msk [tilespmem:v5+s8+$0x0], $0xffff;
	v2 =	vsub.f32 $1.000000000e+00, v2;
	[tilespmem:s13+$0xFFFFFFF0] =	vst v0  }
0x93: {  	v0 =	vsub.f32 $1.000000000e+00, v4;
	v4 =	vld.idx.msk [tilespmem:v5+s7+$0x0], $0xffff;
	[tilespmem:s13+$0x0] =	vst v3  }
0x94: {  	[tilespmem:s9+$0xFFFFFFF0] =	vst v2  }
0x95: {  	v6 =	vld.idx.msk [tilespmem:v8+s7+$0x0], $0xffff;
	[tilespmem:s9+$0x0] =	vst v0  }
0x96: {  	v3 =	vld.idx.msk [tilespmem:v8+s8+$0x0], $0xffff;
	[tilespmem:s10+$0xFFFFFFF0] =	vst v7  }
0x97: {  	v2 =	vsub.f32 $1.000000000e+00, v11;
	[tilespmem:s10+$0x0] =	vst v1;
	v1 =	vld.idx.msk [tilespmem:v9+s7+$0x0], $0xffff  }
0x98: {  	v0 =	vld.idx.msk [tilespmem:v9+s8+$0x0], $0xffff;
	[tilespmem:s11+$0xFFFFFFE0] =	vst v4;
	v5 =	vsub.f32 $1.000000000e+00, v4  }
0x99: {  	v4 =	vld [tilespmem:s12+$0xFFFFFFE0];
	[tilespmem:s13+$0xFFFFFFE0] =	vst v2  }
0x9a: {  	s14 =	simm.s32 $0xA0;
	v2 =	vld.idx.msk [tilespmem:v10+s8+$0x0], $0xffff;
	[tilespmem:s9+$0xFFFFFFE0] =	vst v5  }
0x9b: {  	s11 =	simm.s32 $0x5E0;
	s12 =	simm.s32 $0x9E0;
	s13 =	simm.s32 $0x40;
	v7 =	vsub.f32 $1.000000000e+00, v3;
	v5 =	vld.idx.msk [tilespmem:v10+s7+$0x0], $0xffff;
	[tilespmem:s10+$0xFFFFFFE0] =	vst v11  }
.LBB2_1:
0x9c: {  	s13 =	sadd.s32 $0x40, s13;
	[tilespmem:s11+$0x0] =	vst v1;
	s10 =	sadd.s32 $0x40, s10;
	s9 =	sadd.s32 $0x40, s9  }
0x9d: {  	v8 =	vld [tilespmem:s14+$0x10];
	p0 =	slt.u32 s13, $0x3C0;
	[tilespmem:s11+$0x10] =	vst v6;
	v6 =	vsub.f32 $1.000000000e+00, v6  }
0x9e: {  	v9 =	vld [tilespmem:s14+$0x0];
	[tilespmem:s12+$0x10] =	vst v7  }
0x9f: {  	[tilespmem:s9+$0x10] =	vst v6  }
0xa0: {  	v6 =	vsub.f32 $1.000000000e+00, v2;
	v7 =	vld [tilespmem:s14+$0xFFFFFFF0];
	[tilespmem:s10+$0x10] =	vst v3  }
0xa1: {  	v3 =	vsub.f32 $1.000000000e+00, v0;
	v10 =	vld.idx.msk [tilespmem:v4+s8+$0x0], $0xffff;
	[tilespmem:s11+$0xFFFFFFF0] =	vst v5  }
0xa2: {  	v1 =	vsub.f32 $1.000000000e+00, v1;
	v4 =	vld.idx.msk [tilespmem:v4+s7+$0x0], $0xffff;
	[tilespmem:s12+$0xFFFFFFF0] =	vst v6  }
0xa3: {  	[tilespmem:s12+$0x0] =	vst v3  }
0xa4: {  	v5 =	vsub.f32 $1.000000000e+00, v5;
	[tilespmem:s9+$0x0] =	vst v1  }
0xa5: {  	v3 =	vld.idx.msk [tilespmem:v8+s8+$0x0], $0xffff;
	[tilespmem:s10+$0x0] =	vst v0  }
0xa6: {  	v1 =	vld.idx.msk [tilespmem:v9+s7+$0x0], $0xffff;
	[tilespmem:s9+$0xFFFFFFF0] =	vst v5  }
.Ltmp0:
0xa7: {  	v5 =	vsub.f32 $1.000000000e+00, v10;
	v6 =	vld.idx.msk [tilespmem:v8+s7+$0x0], $0xffff;
	[tilespmem:s10+$0xFFFFFFF0] =	vst v2;
	(pc) =	sbr.rel @p0 .LBB2_1-.Ltmp0, $4  }
0xa8: {  	v8 =	vsub.f32 $1.000000000e+00, v4;
	v0 =	vld.idx.msk [tilespmem:v9+s8+$0x0], $0xffff;
	[tilespmem:s11+$0xFFFFFFE0] =	vst v4  }
0xa9: {  	s11 =	sadd.s32 $0x40, s11;
	v4 =	vld [tilespmem:s14+$0xFFFFFFE0];
	[tilespmem:s12+$0xFFFFFFE0] =	vst v5  }
0xaa: {  	v2 =	vld.idx.msk [tilespmem:v7+s8+$0x0], $0xffff;
	[tilespmem:s9+$0xFFFFFFE0] =	vst v8  }
0xab: {  	s14 =	sadd.s32 $0x40, s14;
	s12 =	sadd.s32 $0x40, s12;
	v5 =	vld.idx.msk [tilespmem:v7+s7+$0x0], $0xffff;
	v7 =	vsub.f32 $1.000000000e+00, v3;
	[tilespmem:s10+$0xFFFFFFE0] =	vst v10  }
0xac: {  	[tilespmem:s11+$0x0] =	vst v1  }
0xad: {  	[tilespmem:s11+$0x10] =	vst v6;
	v55 =	vsub.f32 $1.000000000e+00, v6  }
0xae: {  	s9 =	sadd.s32 $0x40, s9;
	[tilespmem:s12+$0x10] =	vst v7  }
0xaf: {  	s10 =	sadd.s32 $0x40, s10;
	v57 =	vsub.f32 $1.000000000e+00, v0;
	[tilespmem:s9+$0x10] =	vst v55  }
0xb0: {  	[tilespmem:s10+$0x10] =	vst v3  }
0xb1: {  	v59 =	vsub.f32 $1.000000000e+00, v1;
	[tilespmem:s12+$0x0] =	vst v57  }
0xb2: {  	v58 =	vld.idx.msk [tilespmem:v4+s8+$0x0], $0xffff;
	v56 =	vsub.f32 $1.000000000e+00, v2;
	[tilespmem:s11+$0xFFFFFFF0] =	vst v5  }
0xb3: {  	v60 =	vld.idx.msk [tilespmem:v4+s7+$0x0], $0xffff;
	[tilespmem:s9+$0x0] =	vst v59  }
0xb4: {  	v61 =	vsub.f32 $1.000000000e+00, v5;
	[tilespmem:s12+$0xFFFFFFF0] =	vst v56  }
0xb5: {  	[tilespmem:s10+$0x0] =	vst v0  }
0xb6: {  	[tilespmem:s9+$0xFFFFFFF0] =	vst v61  }
0xb7: {  	v62 =	vsub.f32 $1.000000000e+00, v58;
	[tilespmem:s10+$0xFFFFFFF0] =	vst v2  }
0xb8: {  	[tilespmem:s11+$0xFFFFFFE0] =	vst v60;
	v63 =	vsub.f32 $1.000000000e+00, v60  }
0xb9: {  	[tilespmem:s12+$0xFFFFFFE0] =	vst v62  }
0xba: {  	[tilespmem:s9+$0xFFFFFFE0] =	vst v63  }
0xbb: {  	s6 =	sadd.s32 s6, s5;
	s25 =	simm.s32 $0x0;
	s26 =	simm.s32 $0x580;
	[tilespmem:s10+$0xFFFFFFE0] =	vst v58  }
0xbc: {  	[hbm4b:s6+s25] =	stream.linear.scatter [tilespmem:s26], [sflag:$0x3], $0x400, $0x38;
	[tilespmem:$0x1580] =	vst v63  }
0xbd: {  	s4 =	sadd.s32 s4, s5;
	s28 =	simm.s32 $0x980  }
0xbe: {  	[hbm4b:s4+s25] =	stream.linear.scatter [tilespmem:s28], [sflag:$0x3], $0x400, $0x38;
	[tilespmem:$0x1580] =	vst v63  }
0xbf: {  	s3 =	sadd.s32 s3, s5;
	s29 =	simm.s32 $0xD80  }
0xc0: {  	[hbm4b:s3+s25] =	stream.linear.scatter [tilespmem:s29], [sflag:$0x3], $0x400, $0x38;
	[tilespmem:$0x1580] =	vst v63  }
0xc1: {  	s2 =	sadd.s32 s2, s5;
	s30 =	simm.s32 $0x1180;
	s31 =	simm.s32 $0x3  }
0xc2: {  	[hbm4b:s2+s25] =	stream.linear.scatter [tilespmem:s30], [sflag:$0x3], $0x400, $0x38;
	[tilespmem:$0x1580] =	vst v63  }
0xc3: {  	_ =	swait.ge [sflag:s31], $0x400  }
0xc4: {  	[sflag:s31] =	ssyncset.done $0x0  }
0xc5: {  	[sflag:s31] =	ssyncadd.s32 $0xFFFFFC00  }
0xc6: {  	_ =	swait.ge [sflag:s31], $0x400  }
0xc7: {  	[sflag:s31] =	ssyncset.done $0x0  }
0xc8: {  	[sflag:s31] =	ssyncadd.s32 $0xFFFFFC00  }
0xc9: {  	_ =	swait.ge [sflag:s31], $0x400  }
0xca: {  	[sflag:s31] =	ssyncset.done $0x0  }
0xcb: {  	[sflag:s31] =	ssyncadd.s32 $0xFFFFFC00  }
0xcc: {  	_ =	swait.ge [sflag:s31], $0x400  }
0xcd: {  	[sflag:s31] =	ssyncset.done $0x0  }
0xce: {  	[sflag:s31] =	ssyncadd.s32 $0xFFFFFC00  }
0xcf: {  	_ =	sfence.sel $0x180000  }
0xd0: {  	[bflag:$0x0] =	sbarrier.arrive $0xFFFF  }
0xd1: {  	p0 =	sne.s32 s1, $0x0;
	_ =	strace $0x90000047  }
0xd2: {  	s0 =	sadd.s32 @!p0 $0x100000, s0;
	[bflag:$0x2] =	sbarrier.arrive $0xFFFF  }
0xd3: {  	[sflag:s0] =	ssyncadd.tile.s32 @!p0 $0x1;
	_ =	shalt  }
.Lfunc_end2:
_tile_overlayer_lowered:
.L_overlay_start_2:
0xd4: {  	(tag) =	ssettag $0x2  }
0xd5: {  	s0 =	rddreg [dreg:$0x0];
	s2 =	stileid.u32  }
0xd6: {  	s1 =	rddreg [dreg:$0x1];
	p0 =	sne.s32 s2, $0x0  }
0xd7: {  	s3 =	rddreg [dreg:$0x2];
	[bflag:$0x3] =	sbarrier.arrive $0xFFFF;
	s2 =	simm.s32 @!p0 $0x1C04  }
0xd8: {  	[timem:s3], [sflag:s2] =	dma.local @!p0 [hbm:s0], s1  }
0xd9: {  	s0 =	simm.s32 @!p0 $0x4  }
0xda: {  	_ =	swait.ge @!p0 [sflag:s0], s1  }
0xdb: {  	s1 =	ssub.s32 @!p0 $0x0, s1;
	[sflag:s0] =	ssyncset.done @!p0 $0x0  }
0xdc: {  	[sflag:s0] =	ssyncadd.s32 @!p0 s1  }
0xdd: {  	[bflag:$0x3] =	sbarrier.arrive $0xFFFF  }
0xde: {  	_ =	shalt  }

</sc_bundles>
